<compile_context>
chip_gen: v7x
topology: tpu7x:2x2x1
jax: 0.10.2.dev20260603
libtpu: 0.0.44.dev20260713+nightly
codegen_flags: <defaults>
</compile_context>

<pallas_src>
import functools

import jax
import jax.numpy as jnp
from jax import lax
from jax.experimental import pallas as pl
from jax.experimental.pallas import tpu as pltpu
from jax.experimental.pallas import tpu_sc as plsc

_PREC = lax.Precision.DEFAULT
_QUANT_EVERY = 2

_SC_CORES = 2
_SC_SUBCORES = 16
_SC_WORKERS = _SC_CORES * _SC_SUBCORES


def _dist_body(x_ref, w_ref, b_ref, cb_ref, idx_ref, cn_ref, *,
               kb, n_kb, tb, k_total):

    @pl.when(pl.program_id(0) == 0)
    def _():
        cn_ref[...] = jnp.sum(cb_ref[...] * cb_ref[...], axis=1)

    h = lax.dot_general(x_ref[0].astype(jnp.bfloat16),
                        w_ref[...].astype(jnp.bfloat16),
                        (((0,), (0,)), ((), ())),
                        precision=_PREC, preferred_element_type=jnp.float32)
    h = h + b_ref[...]
    hh = jnp.sum(h * h, axis=1)

    def step(k, carry):
        best_val, best_idx = carry
        off = pl.multiple_of(k * kb, kb)
        cb = cb_ref[pl.ds(off, kb), :]
        scores = lax.dot_general(h.astype(jnp.bfloat16), cb.astype(jnp.bfloat16),
                                 (((1,), (1,)), ((), ())),
                                 precision=_PREC,
                                 preferred_element_type=jnp.float32)
        cnorm = cn_ref[pl.ds(off, kb)]
        u = (hh[:, None] - 2.0 * scores) + cnorm[None, :]
        um = jnp.min(u, axis=1)
        col = lax.broadcasted_iota(jnp.int32, (tb, kb), 1)
        li = jnp.min(jnp.where(u == um[:, None], col, k_total), axis=1)
        li = li.astype(jnp.int32) + (k * kb).astype(jnp.int32)
        upd = um < best_val
        best_val = jnp.where(upd, um, best_val)
        best_idx = jnp.where(upd, li, best_idx)
        qnow = (k % _QUANT_EVERY) == (_QUANT_EVERY - 1)
        bq = best_val.astype(jnp.bfloat16).astype(jnp.float32)
        best_val = jnp.where(qnow, bq, best_val)
        return (best_val, best_idx)

    init = (jnp.full((tb,), jnp.inf, jnp.float32),
            jnp.zeros((tb,), jnp.int32))
    _, best_idx = lax.fori_loop(0, n_kb, step, init)
    idx_ref[0, 0] = best_idx


def _decode_body(q_ref, w_ref, b_ref, o_ref):
    o = lax.dot_general(w_ref[...].astype(jnp.bfloat16),
                        q_ref[0].astype(jnp.bfloat16),
                        (((0,), (1,)), ((), ())),
                        precision=_PREC, preferred_element_type=jnp.float32)
    o_ref[0] = o + b_ref[...]


def _make_gather(bt, d, k_rows):
    rows_per_w = bt // _SC_WORKERS
    chunk = 128
    n_chunks = rows_per_w // chunk
    mesh = plsc.VectorSubcoreMesh(core_axis_name="c", subcore_axis_name="s")

    @functools.partial(
        pl.kernel,
        out_type=jax.ShapeDtypeStruct((bt, d), jnp.float32),
        mesh=mesh,
        scratch_types=(
            [pltpu.VMEM((chunk,), jnp.int32) for _ in range(n_chunks)]
            + [pltpu.VMEM((chunk, d), jnp.float32) for _ in range(n_chunks)]
            + [pltpu.SemaphoreType.DMA for _ in range(n_chunks)]
        ),
    )
    def gather(cb_hbm, idx_hbm, out_hbm, *scratch):
        idx_v = scratch[:n_chunks]
        rows_v = scratch[n_chunks:2 * n_chunks]
        sems = scratch[2 * n_chunks:]
        wid = lax.axis_index("s") * _SC_CORES + lax.axis_index("c")
        base = wid * rows_per_w
        copies = []
        for j in range(n_chunks):
            pltpu.sync_copy(idx_hbm.at[pl.ds(base + j * chunk, chunk)], idx_v[j])
            copies.append(
                pltpu.async_copy(cb_hbm.at[idx_v[j]], rows_v[j], sems[j]))
        for j in range(n_chunks):
            copies[j].wait()
            pltpu.sync_copy(rows_v[j], out_hbm.at[pl.ds(base + j * chunk, chunk)])

    return gather


def kernel(hidden_states, W_in, b_in, codebook, W_out, b_out):
    B, H, T = hidden_states.shape
    D = W_in.shape[1]
    K = codebook.shape[0]
    BT = B * T
    TB = 512
    KB = 1024
    G_T = BT // TB

    tpb = T // TB

    idx3 = pl.pallas_call(
        functools.partial(_dist_body, kb=KB, n_kb=K // KB, tb=TB, k_total=K),
        grid=(G_T,),
        in_specs=[
            pl.BlockSpec((1, H, TB), lambda i: (i // tpb, 0, i % tpb)),
            pl.BlockSpec((H, D), lambda i: (0, 0)),
            pl.BlockSpec((1, D), lambda i: (0, 0)),
            pl.BlockSpec((K, D), lambda i: (0, 0)),
        ],
        out_specs=pl.BlockSpec((1, 1, TB), lambda i: (i, 0, 0)),
        out_shape=jax.ShapeDtypeStruct((G_T, 1, TB), jnp.int32),
        scratch_shapes=[pltpu.VMEM((K,), jnp.float32)],
    )(hidden_states, W_in, b_in.reshape(1, D), codebook)

    q = _make_gather(BT, D, K)(codebook, idx3.reshape(BT))

    out = pl.pallas_call(
        _decode_body,
        grid=(B,),
        in_specs=[
            pl.BlockSpec((1, T, D), lambda b: (b, 0, 0)),
            pl.BlockSpec((D, H), lambda b: (0, 0)),
            pl.BlockSpec((H, 1), lambda b: (0, 0)),
        ],
        out_specs=pl.BlockSpec((1, H, T), lambda b: (b, 0, 0)),
        out_shape=jax.ShapeDtypeStruct((B, H, T), jnp.float32),
    )(q.reshape(B, T, D), W_out, b_out.reshape(H, 1))

    return out

# --- scband reference (transcript-rebuilt; emitter-appended) ---
"""Pipeline reference for scband-higgs-audio-tokenizer-vector-quantization-70729521430993 (READ-ONLY COPY).

The authoritative reference and input builder live on the scoring server;
editing this copy changes nothing except your own understanding.
"""

import jax, jax.numpy as jnp
import numpy as np

B, H, T = 4, 1024, 2048
D, K = 256, 8192

def setup_inputs(seed: int = 0) -> dict:
    key = jax.random.key(seed)
    ks = jax.random.split(key, 6)
    hidden_states = jax.random.normal(ks[0], (B, H, T), dtype=jnp.float32)
    W_in = jax.random.normal(ks[1], (H, D), dtype=jnp.float32) * (1.0 / np.sqrt(H))
    b_in = jax.random.normal(ks[2], (D,), dtype=jnp.float32) * 0.01
    codebook = jax.random.normal(ks[3], (K, D), dtype=jnp.float32)
    W_out = jax.random.normal(ks[4], (D, H), dtype=jnp.float32) * (1.0 / np.sqrt(D))
    b_out = jax.random.normal(ks[5], (H,), dtype=jnp.float32) * 0.01
    return {"hidden_states": hidden_states, "W_in": W_in, "b_in": b_in,
            "codebook": codebook, "W_out": W_out, "b_out": b_out}

def reference(hidden_states, W_in, b_in, codebook, W_out, b_out):
    # encode: permute(0,2,1) then project_in
    x = jnp.transpose(hidden_states, (0, 2, 1))          # [B, T, H]
    h = x @ W_in + b_in                                   # [B, T, D]
    # EuclideanCodebook.quantize: nearest neighbor via -||h - e||^2 argmax
    flat = h.reshape(-1, h.shape[-1])                     # [B*T, D]
    dist = -(jnp.sum(flat ** 2, axis=1, keepdims=True)
             - 2.0 * flat @ codebook.T
             + jnp.sum(codebook ** 2, axis=1)[None, :])   # [B*T, K]
    embed_ind = jnp.argmax(dist, axis=-1)                 # [B*T]
    embed_ind = embed_ind.reshape(h.shape[0], h.shape[1]) # [B, T]
    # decode: embedding lookup, project_out, permute back
    quantize = jnp.take(codebook, embed_ind, axis=0)      # [B, T, D]
    out = quantize @ W_out + b_out                        # [B, T, H]
    out = jnp.transpose(out, (0, 2, 1))                   # [B, H, T]
    return out

if __name__ == "__main__":
    import jax
    _d = setup_inputs()
    print(jax.jit(kernel)(*tuple(_d.values())))

</pallas_src>

<mosaic_0001>
#map = affine_map<(d0, d1) -> (0, 0)>
#map1 = affine_map<(d0, d1) -> (0)>
module attributes {stable_mosaic.version = 14 : i64} {
  func.func @gather(%arg0: i32, %arg1: i32, %arg2: memref<8192x256xf32, #tpu.memory_space<hbm>>, %arg3: memref<8192xi32, #tpu.memory_space<hbm>>, %arg4: memref<8192x256xf32, #tpu.memory_space<hbm>>, %arg5: memref<128xi32, #tpu.memory_space<vmem>>, %arg6: memref<128xi32, #tpu.memory_space<vmem>>, %arg7: memref<128x256xf32, #tpu.memory_space<vmem>>, %arg8: memref<128x256xf32, #tpu.memory_space<vmem>>, %arg9: memref<!tpu.dma_semaphore, #tpu.memory_space<semaphore_mem>>, %arg10: memref<!tpu.dma_semaphore, #tpu.memory_space<semaphore_mem>>) attributes {dimension_semantics = [#tpu.dimension_semantics<core_parallel>, #tpu.dimension_semantics<subcore_parallel>], iteration_bounds = array<i64: 2, 16>, scalar_prefetch = 0 : i64, scratch_operands = 6 : i64, tpu.core_type = #tpu.core_type<sc_vector_subcore>, window_params = [{transform_indices = #map}, {transform_indices = #map1}, {transform_indices = #map}]} {
    %mul3A = arith.constant 2 : i32
    %mul3A_0 = arith.muli %arg1, %mul3A : i32
    %add3A = arith.addi %mul3A_0, %arg0 : i32
    %mul3A_1 = arith.constant 256 : i32
    %mul3A_2 = arith.muli %add3A, %mul3A_1 : i32
    %add3A_3 = arith.constant 0 : i32
    %add3A_4 = arith.addi %mul3A_2, %add3A_3 : i32
    "tpu.region"() ({
      %run_scoped3A = tpu.sem_alloc : memref<!tpu.dma_semaphore, #tpu.memory_space<semaphore_mem>>
      %dma_start3A_21 = tpu.memref_slice %arg3[%add3A_4] : memref<8192xi32, #tpu.memory_space<hbm>> -> memref<128xi32, #tpu.memory_space<hbm>>
      %dma_start3A_22 = tpu.memref_slice %arg3[%add3A_4] : memref<8192xi32, #tpu.memory_space<hbm>> -> memref<128xi32, #tpu.memory_space<hbm>>
      tpu.enqueue_dma source(%dma_start3A_22 : memref<128xi32, #tpu.memory_space<hbm>>) target(%arg5 : memref<128xi32, #tpu.memory_space<vmem>>) target_semaphore(%run_scoped3A : memref<!tpu.dma_semaphore, #tpu.memory_space<semaphore_mem>>)
      %dma_wait3A_23 = tpu.memref_slice %arg3[%add3A_4] : memref<8192xi32, #tpu.memory_space<hbm>> -> memref<128xi32, #tpu.memory_space<hbm>>
      %dma_wait3A_24 = tpu.memref_slice %arg3[%add3A_4] : memref<8192xi32, #tpu.memory_space<hbm>> -> memref<128xi32, #tpu.memory_space<hbm>>
      tpu.wait_dma2 semaphore(%run_scoped3A : memref<!tpu.dma_semaphore, #tpu.memory_space<semaphore_mem>>) src(%dma_wait3A_24 : memref<128xi32, #tpu.memory_space<hbm>>) dst(%arg5 : memref<128xi32, #tpu.memory_space<vmem>>)
      tpu.yield
    }) : () -> ()
    %dma_start3A = arith.constant 0 : i32
    %dma_start3A_5 = arith.constant 0 : i32
    %dma_start3A_6 = tpu.memref_slice %arg2[%dma_start3A, %dma_start3A_5] : memref<8192x256xf32, #tpu.memory_space<hbm>> -> memref<8192x256xf32, #tpu.memory_space<hbm>>
    tpu.enqueue_indirect_dma source(%dma_start3A_6 : memref<8192x256xf32, #tpu.memory_space<hbm>>) target(%arg7 : memref<128x256xf32, #tpu.memory_space<vmem>>) offsets(%arg5 : memref<128xi32, #tpu.memory_space<vmem>>) semaphore(%arg9 : memref<!tpu.dma_semaphore, #tpu.memory_space<semaphore_mem>>)
    %add3A_7 = arith.constant 128 : i32
    %add3A_8 = arith.addi %mul3A_2, %add3A_7 : i32
    "tpu.region"() ({
      %run_scoped3A = tpu.sem_alloc : memref<!tpu.dma_semaphore, #tpu.memory_space<semaphore_mem>>
      %dma_start3A_21 = tpu.memref_slice %arg3[%add3A_8] : memref<8192xi32, #tpu.memory_space<hbm>> -> memref<128xi32, #tpu.memory_space<hbm>>
      %dma_start3A_22 = tpu.memref_slice %arg3[%add3A_8] : memref<8192xi32, #tpu.memory_space<hbm>> -> memref<128xi32, #tpu.memory_space<hbm>>
      tpu.enqueue_dma source(%dma_start3A_22 : memref<128xi32, #tpu.memory_space<hbm>>) target(%arg6 : memref<128xi32, #tpu.memory_space<vmem>>) target_semaphore(%run_scoped3A : memref<!tpu.dma_semaphore, #tpu.memory_space<semaphore_mem>>)
      %dma_wait3A_23 = tpu.memref_slice %arg3[%add3A_8] : memref<8192xi32, #tpu.memory_space<hbm>> -> memref<128xi32, #tpu.memory_space<hbm>>
      %dma_wait3A_24 = tpu.memref_slice %arg3[%add3A_8] : memref<8192xi32, #tpu.memory_space<hbm>> -> memref<128xi32, #tpu.memory_space<hbm>>
      tpu.wait_dma2 semaphore(%run_scoped3A : memref<!tpu.dma_semaphore, #tpu.memory_space<semaphore_mem>>) src(%dma_wait3A_24 : memref<128xi32, #tpu.memory_space<hbm>>) dst(%arg6 : memref<128xi32, #tpu.memory_space<vmem>>)
      tpu.yield
    }) : () -> ()
    %dma_start3A_9 = arith.constant 0 : i32
    %dma_start3A_10 = arith.constant 0 : i32
    %dma_start3A_11 = tpu.memref_slice %arg2[%dma_start3A_9, %dma_start3A_10] : memref<8192x256xf32, #tpu.memory_space<hbm>> -> memref<8192x256xf32, #tpu.memory_space<hbm>>
    tpu.enqueue_indirect_dma source(%dma_start3A_11 : memref<8192x256xf32, #tpu.memory_space<hbm>>) target(%arg8 : memref<128x256xf32, #tpu.memory_space<vmem>>) offsets(%arg6 : memref<128xi32, #tpu.memory_space<vmem>>) semaphore(%arg10 : memref<!tpu.dma_semaphore, #tpu.memory_space<semaphore_mem>>)
    %dma_wait3A = arith.constant 0 : i32
    %dma_wait3A_12 = arith.constant 0 : i32
    %dma_wait3A_13 = tpu.memref_slice %arg2[%dma_wait3A, %dma_wait3A_12] : memref<8192x256xf32, #tpu.memory_space<hbm>> -> memref<8192x256xf32, #tpu.memory_space<hbm>>
    tpu.wait_indirect_dma semaphore(%arg9 : memref<!tpu.dma_semaphore, #tpu.memory_space<semaphore_mem>>) src(%dma_wait3A_13 : memref<8192x256xf32, #tpu.memory_space<hbm>>) dst(%arg7 : memref<128x256xf32, #tpu.memory_space<vmem>>)
    %add3A_14 = arith.constant 0 : i32
    %add3A_15 = arith.addi %mul3A_2, %add3A_14 : i32
    "tpu.region"() ({
      %run_scoped3A = tpu.sem_alloc : memref<!tpu.dma_semaphore, #tpu.memory_space<semaphore_mem>>
      %dma_start3A_21 = arith.constant 0 : i32
      %dma_start3A_22 = tpu.memref_slice %arg4[%add3A_15, %dma_start3A_21] : memref<8192x256xf32, #tpu.memory_space<hbm>> -> memref<128x256xf32, #tpu.memory_space<hbm>>
      %dma_start3A_23 = arith.constant 0 : i32
      %dma_start3A_24 = tpu.memref_slice %arg4[%add3A_15, %dma_start3A_23] : memref<8192x256xf32, #tpu.memory_space<hbm>> -> memref<128x256xf32, #tpu.memory_space<hbm>>
      tpu.enqueue_dma source(%arg7 : memref<128x256xf32, #tpu.memory_space<vmem>>) target(%dma_start3A_24 : memref<128x256xf32, #tpu.memory_space<hbm>>) target_semaphore(%run_scoped3A : memref<!tpu.dma_semaphore, #tpu.memory_space<semaphore_mem>>)
      %dma_wait3A_25 = arith.constant 0 : i32
      %dma_wait3A_26 = tpu.memref_slice %arg4[%add3A_15, %dma_wait3A_25] : memref<8192x256xf32, #tpu.memory_space<hbm>> -> memref<128x256xf32, #tpu.memory_space<hbm>>
      %dma_wait3A_27 = arith.constant 0 : i32
      %dma_wait3A_28 = tpu.memref_slice %arg4[%add3A_15, %dma_wait3A_27] : memref<8192x256xf32, #tpu.memory_space<hbm>> -> memref<128x256xf32, #tpu.memory_space<hbm>>
      tpu.wait_dma2 semaphore(%run_scoped3A : memref<!tpu.dma_semaphore, #tpu.memory_space<semaphore_mem>>) src(%arg7 : memref<128x256xf32, #tpu.memory_space<vmem>>) dst(%dma_wait3A_28 : memref<128x256xf32, #tpu.memory_space<hbm>>)
      tpu.yield
    }) : () -> ()
    %dma_wait3A_16 = arith.constant 0 : i32
    %dma_wait3A_17 = arith.constant 0 : i32
    %dma_wait3A_18 = tpu.memref_slice %arg2[%dma_wait3A_16, %dma_wait3A_17] : memref<8192x256xf32, #tpu.memory_space<hbm>> -> memref<8192x256xf32, #tpu.memory_space<hbm>>
    tpu.wait_indirect_dma semaphore(%arg10 : memref<!tpu.dma_semaphore, #tpu.memory_space<semaphore_mem>>) src(%dma_wait3A_18 : memref<8192x256xf32, #tpu.memory_space<hbm>>) dst(%arg8 : memref<128x256xf32, #tpu.memory_space<vmem>>)
    %add3A_19 = arith.constant 128 : i32
    %add3A_20 = arith.addi %mul3A_2, %add3A_19 : i32
    "tpu.region"() ({
      %run_scoped3A = tpu.sem_alloc : memref<!tpu.dma_semaphore, #tpu.memory_space<semaphore_mem>>
      %dma_start3A_21 = arith.constant 0 : i32
      %dma_start3A_22 = tpu.memref_slice %arg4[%add3A_20, %dma_start3A_21] : memref<8192x256xf32, #tpu.memory_space<hbm>> -> memref<128x256xf32, #tpu.memory_space<hbm>>
      %dma_start3A_23 = arith.constant 0 : i32
      %dma_start3A_24 = tpu.memref_slice %arg4[%add3A_20, %dma_start3A_23] : memref<8192x256xf32, #tpu.memory_space<hbm>> -> memref<128x256xf32, #tpu.memory_space<hbm>>
      tpu.enqueue_dma source(%arg8 : memref<128x256xf32, #tpu.memory_space<vmem>>) target(%dma_start3A_24 : memref<128x256xf32, #tpu.memory_space<hbm>>) target_semaphore(%run_scoped3A : memref<!tpu.dma_semaphore, #tpu.memory_space<semaphore_mem>>)
      %dma_wait3A_25 = arith.constant 0 : i32
      %dma_wait3A_26 = tpu.memref_slice %arg4[%add3A_20, %dma_wait3A_25] : memref<8192x256xf32, #tpu.memory_space<hbm>> -> memref<128x256xf32, #tpu.memory_space<hbm>>
      %dma_wait3A_27 = arith.constant 0 : i32
      %dma_wait3A_28 = tpu.memref_slice %arg4[%add3A_20, %dma_wait3A_27] : memref<8192x256xf32, #tpu.memory_space<hbm>> -> memref<128x256xf32, #tpu.memory_space<hbm>>
      tpu.wait_dma2 semaphore(%run_scoped3A : memref<!tpu.dma_semaphore, #tpu.memory_space<semaphore_mem>>) src(%arg8 : memref<128x256xf32, #tpu.memory_space<vmem>>) dst(%dma_wait3A_28 : memref<128x256xf32, #tpu.memory_space<hbm>>)
      tpu.yield
    }) : () -> ()
    return
  }
}

module attributes {stable_mosaic.version = 14 : i64} {
  func.func @_dist_body(%arg0: i32, %arg1: memref<1x1024x512xf32, #tpu.memory_space<vmem>>, %arg2: memref<1024x256xf32, #tpu.memory_space<vmem>>, %arg3: memref<1x256xf32, #tpu.memory_space<vmem>>, %arg4: memref<8192x256xf32, #tpu.memory_space<vmem>>, %arg5: memref<1x1x512xi32, #tpu.memory_space<vmem>>, %arg6: memref<8192xf32, #tpu.memory_space<vmem>>) attributes {dimension_semantics = [#tpu.dimension_semantics<arbitrary>], iteration_bounds = array<i64: 16>, scalar_prefetch = 0 : i64, scratch_operands = 1 : i64, tpu.core_type = #tpu.core_type<tc>, window_params = [{transform_indices = @transform_0, window_bounds = array<i64: 1, 1024, 512>}, {pipeline_mode = #tpu.pipeline_mode<synchronous>, transform_indices = @transform_1, window_bounds = array<i64: 1024, 256>}, {pipeline_mode = #tpu.pipeline_mode<synchronous>, transform_indices = @transform_2, window_bounds = array<i64: 1, 256>}, {pipeline_mode = #tpu.pipeline_mode<synchronous>, transform_indices = @transform_3, window_bounds = array<i64: 8192, 256>}, {transform_indices = @transform_4, window_bounds = array<i64: 1, 1, 512>}]} {
    %eq3A = arith.constant 0 : i32
    %eq3A_0 = arith.cmpi eq, %arg0, %eq3A : i32
    %convert_element_type3A = arith.extui %eq3A_0 : i1 to i32
    %cond3A = arith.constant 0 : i32
    %cond3A_1 = arith.cmpi ne, %convert_element_type3A, %cond3A : i32
    scf.if %cond3A_1 {
      %get3A_30 = arith.constant 0 : index
      %get3A_31 = arith.constant 0 : index
      %get3A_32 = vector.load %arg4[%get3A_30, %get3A_31] : memref<8192x256xf32, #tpu.memory_space<vmem>>, vector<8192x256xf32>
      %get3A_33 = arith.constant 0 : index
      %get3A_34 = arith.constant 0 : index
      %get3A_35 = vector.load %arg4[%get3A_33, %get3A_34] : memref<8192x256xf32, #tpu.memory_space<vmem>>, vector<8192x256xf32>
      %mul3A_36 = arith.mulf %get3A_32, %get3A_35 : vector<8192x256xf32>
      %reduce_sum3A_37 = arith.constant dense<0.000000e+00> : vector<8192xf32>
      %reduce_sum3A_38 = vector.multi_reduction <add>, %mul3A_36, %reduce_sum3A_37 [1] : vector<8192x256xf32> to vector<8192xf32>
      %swap3A_39 = arith.constant 0 : index
      %swap3A_40 = vector.load %arg6[%swap3A_39] : memref<8192xf32, #tpu.memory_space<vmem>>, vector<8192xf32>
      tpu.vector_store %arg6[%swap3A_39], %reduce_sum3A_38 {strides = array<i32>} : memref<8192xf32, #tpu.memory_space<vmem>>, vector<8192xf32>,
    } else {
    }
    %get3A = arith.constant 0 : index
    %get3A_2 = arith.constant 0 : index
    %get3A_3 = arith.constant 0 : index
    %get3A_4 = vector.load %arg1[%get3A, %get3A_2, %get3A_3] : memref<1x1024x512xf32, #tpu.memory_space<vmem>>, vector<1x1024x512xf32>
    %get3A_5 = vector.shape_cast %get3A_4 : vector<1x1024x512xf32> to vector<1024x512xf32>
    %convert_element_type3A_6 = arith.truncf %get3A_5 : vector<1024x512xf32> to vector<1024x512xbf16>
    %get3A_7 = arith.constant 0 : index
    %get3A_8 = arith.constant 0 : index
    %get3A_9 = vector.load %arg2[%get3A_7, %get3A_8] : memref<1024x256xf32, #tpu.memory_space<vmem>>, vector<1024x256xf32>
    %convert_element_type3A_10 = arith.truncf %get3A_9 : vector<1024x256xf32> to vector<1024x256xbf16>
    %dot_general3A = arith.constant dense<0.000000e+00> : vector<512x256xf32>
    %dot_general3A_11 = tpu.matmul %convert_element_type3A_6, %convert_element_type3A_10, %dot_general3A {dimension_numbers = #tpu.dot_dimension_numbers<[0], [0], [1], [1], [0, 1, 1, 1], [], []>, transpose_lhs_hint = false} : vector<1024x512xbf16>, vector<1024x256xbf16>, vector<512x256xf32> -> vector<512x256xf32>
    %get3A_12 = arith.constant 0 : index
    %get3A_13 = arith.constant 0 : index
    %get3A_14 = vector.load %arg3[%get3A_12, %get3A_13] : memref<1x256xf32, #tpu.memory_space<vmem>>, vector<1x256xf32>
    %add3A = vector.broadcast %get3A_14 : vector<1x256xf32> to vector<512x256xf32>
    %add3A_15 = arith.addf %dot_general3A_11, %add3A : vector<512x256xf32>
    %mul3A = arith.mulf %add3A_15, %add3A_15 : vector<512x256xf32>
    %reduce_sum3A = arith.constant dense<0.000000e+00> : vector<512xf32>
    %reduce_sum3A_16 = vector.multi_reduction <add>, %mul3A, %reduce_sum3A [1] : vector<512x256xf32> to vector<512xf32>
    %broadcast_in_dim3A = arith.constant 0x7F800000 : f32
    %broadcast_in_dim3A_17 = vector.broadcast %broadcast_in_dim3A : f32 to vector<512xf32>
    %broadcast_in_dim3A_18 = arith.constant 0 : i32
    %broadcast_in_dim3A_19 = vector.broadcast %broadcast_in_dim3A_18 : i32 to vector<512xi32>
    %scan3A = arith.constant 0 : i32
    %scan3A_20 = arith.constant 8 : i32
    %scan3A_21 = arith.addi %scan3A, %scan3A_20 : i32
    %scan3A_22 = arith.constant 1 : i32
    %scan3A_23:2 = scf.for %scan3A_30 = %scan3A to %scan3A_21 step %scan3A_22 iter_args(%scan3A_31 = %broadcast_in_dim3A_17, %scan3A_32 = %broadcast_in_dim3A_19) -> (vector<512xf32>, vector<512xi32>)  : i32 {
      %mul3A_33 = arith.constant 1024 : i32
      %mul3A_34 = arith.muli %scan3A_30, %mul3A_33 : i32
      %multiple_of3A = tpu.assume_multiple %mul3A_34, 1024 : i32
      %get3A_35 = arith.index_cast %multiple_of3A : i32 to index
      %get3A_36 = arith.constant 0 : index
      %get3A_37 = vector.load %arg4[%get3A_35, %get3A_36] : memref<8192x256xf32, #tpu.memory_space<vmem>>, vector<1024x256xf32>
      %convert_element_type3A_38 = arith.truncf %add3A_15 : vector<512x256xf32> to vector<512x256xbf16>
      %convert_element_type3A_39 = arith.truncf %get3A_37 : vector<1024x256xf32> to vector<1024x256xbf16>
      %dot_general3A_40 = arith.constant dense<0.000000e+00> : vector<512x1024xf32>
      %dot_general3A_41 = tpu.matmul %convert_element_type3A_38, %convert_element_type3A_39, %dot_general3A_40 {dimension_numbers = #tpu.dot_dimension_numbers<[1], [1], [0], [0], [0, 0, 1, 0], [], []>, transpose_lhs_hint = false} : vector<512x256xbf16>, vector<1024x256xbf16>, vector<512x1024xf32> -> vector<512x1024xf32>
      %get3A_42 = arith.index_cast %multiple_of3A : i32 to index
      %get3A_43 = vector.load %arg6[%get3A_42] : memref<8192xf32, #tpu.memory_space<vmem>>, vector<1024xf32>
      %broadcast_in_dim3A_44 = vector.shape_cast %reduce_sum3A_16 : vector<512xf32> to vector<512x1xf32>
      %mul3A_45 = arith.constant 2.000000e+00 : f32
      %mul3A_46 = vector.broadcast %mul3A_45 : f32 to vector<512x1024xf32>
      %mul3A_47 = arith.mulf %mul3A_46, %dot_general3A_41 : vector<512x1024xf32>
      %sub3A = vector.broadcast %broadcast_in_dim3A_44 : vector<512x1xf32> to vector<512x1024xf32>
      %sub3A_48 = arith.subf %sub3A, %mul3A_47 : vector<512x1024xf32>
      %broadcast_in_dim3A_49 = vector.shape_cast %get3A_43 : vector<1024xf32> to vector<1x1024xf32>
      %add3A_50 = vector.broadcast %broadcast_in_dim3A_49 : vector<1x1024xf32> to vector<512x1024xf32>
      %add3A_51 = arith.addf %sub3A_48, %add3A_50 : vector<512x1024xf32>
      %reduce_min3A = arith.constant dense<0x7F800000> : vector<512xf32>
      %reduce_min3A_52 = vector.multi_reduction <minimumf>, %add3A_51, %reduce_min3A [1] : vector<512x1024xf32> to vector<512xf32>
      %iota3A = tpu.iota {dimensions = array<i32: 1>} : vector<512x1024xi32>
      %broadcast_in_dim3A_53 = vector.shape_cast %reduce_min3A_52 : vector<512xf32> to vector<512x1xf32>
      %eq3A_54 = vector.broadcast %broadcast_in_dim3A_53 : vector<512x1xf32> to vector<512x1024xf32>
      %eq3A_55 = arith.cmpf oeq, %add3A_51, %eq3A_54 : vector<512x1024xf32>
      %jit3A = arith.constant 8192 : i32
      %broadcast_in_dim3A_56 = vector.broadcast %jit3A : i32 to vector<512x1024xi32>
      %select_n3A = arith.select %eq3A_55, %iota3A, %broadcast_in_dim3A_56 : vector<512x1024xi1>, vector<512x1024xi32>
      %reduce_min3A_57 = arith.constant dense<2147483647> : vector<512xi32>
      %reduce_min3A_58 = vector.multi_reduction <minsi>, %select_n3A, %reduce_min3A_57 [1] : vector<512x1024xi32> to vector<512xi32>
      %mul3A_59 = arith.constant 1024 : i32
      %mul3A_60 = arith.muli %scan3A_30, %mul3A_59 : i32
      %add3A_61 = vector.broadcast %mul3A_60 : i32 to vector<512xi32>
      %add3A_62 = arith.addi %reduce_min3A_58, %add3A_61 : vector<512xi32>
      %lt3A = arith.cmpf olt, %reduce_min3A_52, %scan3A_31 : vector<512xf32>
      %select_n3A_63 = arith.select %lt3A, %reduce_min3A_52, %scan3A_31 : vector<512xi1>, vector<512xf32>
      %select_n3A_64 = arith.select %lt3A, %add3A_62, %scan3A_32 : vector<512xi1>, vector<512xi32>
      %jit3A_65 = arith.constant 2 : i32
      %eq3A_66 = arith.constant 0 : i32
      %eq3A_67 = arith.cmpi eq, %jit3A_65, %eq3A_66 : i32
      %jit3A_68 = arith.constant 1 : i32
      %select_n3A_69 = arith.select %eq3A_67, %jit3A_68, %jit3A_65 : i32
      %rem3A = arith.remsi %scan3A_30, %select_n3A_69 : i32
      %ne3A = arith.constant 0 : i32
      %ne3A_70 = arith.cmpi ne, %rem3A, %ne3A : i32
      %lt3A_71 = arith.constant 0 : i32
      %lt3A_72 = arith.cmpi slt, %rem3A, %lt3A_71 : i32
      %lt3A_73 = arith.constant 0 : i32
      %lt3A_74 = arith.cmpi slt, %select_n3A_69, %lt3A_73 : i32
      %ne3A_75 = arith.xori %lt3A_72, %lt3A_74 : i1
      %and3A = arith.andi %ne3A_75, %ne3A_70 : i1
      %add3A_76 = arith.addi %rem3A, %select_n3A_69 : i32
      %select_n3A_77 = arith.select %and3A, %add3A_76, %rem3A : i32
      %eq3A_78 = arith.constant 1 : i32
      %eq3A_79 = arith.cmpi eq, %select_n3A_77, %eq3A_78 : i32
      %convert_element_type3A_80 = arith.truncf %select_n3A_63 : vector<512xf32> to vector<512xbf16>
      %convert_element_type3A_81 = arith.extf %convert_element_type3A_80 : vector<512xbf16> to vector<512xf32>
      %select_n3A_82 = arith.select %eq3A_79, %convert_element_type3A_81, %select_n3A_63 : vector<512xf32>
      scf.yield %select_n3A_82, %select_n3A_64 : vector<512xf32>, vector<512xi32>
    }
    %scan3A_24 = arith.constant 8 : i32
    %swap3A = arith.constant 0 : index
    %swap3A_25 = arith.constant 0 : index
    %swap3A_26 = arith.constant 0 : index
    %swap3A_27 = vector.load %arg5[%swap3A, %swap3A_25, %swap3A_26] : memref<1x1x512xi32, #tpu.memory_space<vmem>>, vector<1x1x512xi32>
    %swap3A_28 = vector.shape_cast %swap3A_27 : vector<1x1x512xi32> to vector<512xi32>
    %swap3A_29 = vector.shape_cast %scan3A_23#1 : vector<512xi32> to vector<1x1x512xi32>
    tpu.vector_store %arg5[%swap3A, %swap3A_25, %swap3A_26], %swap3A_29 {strides = array<i32>} : memref<1x1x512xi32, #tpu.memory_space<vmem>>, vector<1x1x512xi32>,
    return
  }
  func.func @transform_0(%arg0: i32) -> (i32, i32, i32) {
    %jit3A = arith.constant 4 : i32
    %div3A = arith.divsi %arg0, %jit3A : i32
    %sign3A = arith.constant 0 : i32
    %sign3A_0 = arith.cmpi sgt, %arg0, %sign3A : i32
    %sign3A_1 = arith.extui %sign3A_0 : i1 to i32
    %sign3A_2 = arith.constant 0 : i32
    %sign3A_3 = arith.cmpi slt, %arg0, %sign3A_2 : i32
    %sign3A_4 = arith.extui %sign3A_3 : i1 to i32
    %sign3A_5 = arith.subi %sign3A_1, %sign3A_4 : i32
    %sign3A_6 = arith.constant 0 : i32
    %sign3A_7 = arith.cmpi sgt, %jit3A, %sign3A_6 : i32
    %sign3A_8 = arith.extui %sign3A_7 : i1 to i32
    %sign3A_9 = arith.constant 0 : i32
    %sign3A_10 = arith.cmpi slt, %jit3A, %sign3A_9 : i32
    %sign3A_11 = arith.extui %sign3A_10 : i1 to i32
    %sign3A_12 = arith.subi %sign3A_8, %sign3A_11 : i32
    %ne3A = arith.cmpi ne, %sign3A_5, %sign3A_12 : i32
    %rem3A = arith.remsi %arg0, %jit3A : i32
    %ne3A_13 = arith.constant 0 : i32
    %ne3A_14 = arith.cmpi ne, %rem3A, %ne3A_13 : i32
    %and3A = arith.andi %ne3A, %ne3A_14 : i1
    %sub3A = arith.constant 1 : i32
    %sub3A_15 = arith.subi %div3A, %sub3A : i32
    %select_n3A = arith.select %and3A, %sub3A_15, %div3A : i32
    %jit3A_16 = arith.constant 4 : i32
    %eq3A = arith.constant 0 : i32
    %eq3A_17 = arith.cmpi eq, %jit3A_16, %eq3A : i32
    %jit3A_18 = arith.constant 1 : i32
    %select_n3A_19 = arith.select %eq3A_17, %jit3A_18, %jit3A_16 : i32
    %rem3A_20 = arith.remsi %arg0, %select_n3A_19 : i32
    %ne3A_21 = arith.constant 0 : i32
    %ne3A_22 = arith.cmpi ne, %rem3A_20, %ne3A_21 : i32
    %lt3A = arith.constant 0 : i32
    %lt3A_23 = arith.cmpi slt, %rem3A_20, %lt3A : i32
    %lt3A_24 = arith.constant 0 : i32
    %lt3A_25 = arith.cmpi slt, %select_n3A_19, %lt3A_24 : i32
    %ne3A_26 = arith.xori %lt3A_23, %lt3A_25 : i1
    %and3A_27 = arith.andi %ne3A_26, %ne3A_22 : i1
    %add3A = arith.addi %rem3A_20, %select_n3A_19 : i32
    %select_n3A_28 = arith.select %and3A_27, %add3A, %rem3A_20 : i32
    %c0_i32 = arith.constant 0 : i32
    %c0_i32_29 = arith.constant 0 : i32
    return %select_n3A, %c0_i32, %select_n3A_28 : i32, i32, i32
  }
  func.func @transform_1(%arg0: i32) -> (i32, i32) {
    %c0_i32 = arith.constant 0 : i32
    %c0_i32_0 = arith.constant 0 : i32
    %c0_i32_1 = arith.constant 0 : i32
    return %c0_i32, %c0_i32_0 : i32, i32
  }
  func.func @transform_2(%arg0: i32) -> (i32, i32) {
    %c0_i32 = arith.constant 0 : i32
    %c0_i32_0 = arith.constant 0 : i32
    %c0_i32_1 = arith.constant 0 : i32
    return %c0_i32, %c0_i32_0 : i32, i32
  }
  func.func @transform_3(%arg0: i32) -> (i32, i32) {
    %c0_i32 = arith.constant 0 : i32
    %c0_i32_0 = arith.constant 0 : i32
    %c0_i32_1 = arith.constant 0 : i32
    return %c0_i32, %c0_i32_0 : i32, i32
  }
  func.func @transform_4(%arg0: i32) -> (i32, i32, i32) {
    %c0_i32 = arith.constant 0 : i32
    %c0_i32_0 = arith.constant 0 : i32
    %c0_i32_1 = arith.constant 0 : i32
    return %arg0, %c0_i32, %c0_i32_0 : i32, i32, i32
  }
}

module attributes {stable_mosaic.version = 14 : i64} {
  func.func @_decode_body(%arg0: i32, %arg1: memref<1x2048x256xf32, #tpu.memory_space<vmem>>, %arg2: memref<256x1024xf32, #tpu.memory_space<vmem>>, %arg3: memref<1024x1xf32, #tpu.memory_space<vmem>>, %arg4: memref<1x1024x2048xf32, #tpu.memory_space<vmem>>) attributes {dimension_semantics = [#tpu.dimension_semantics<arbitrary>], iteration_bounds = array<i64: 4>, scalar_prefetch = 0 : i64, scratch_operands = 0 : i64, tpu.core_type = #tpu.core_type<tc>, window_params = [{transform_indices = @transform_0, window_bounds = array<i64: 1, 2048, 256>}, {pipeline_mode = #tpu.pipeline_mode<synchronous>, transform_indices = @transform_1, window_bounds = array<i64: 256, 1024>}, {pipeline_mode = #tpu.pipeline_mode<synchronous>, transform_indices = @transform_2, window_bounds = array<i64: 1024, 1>}, {transform_indices = @transform_3, window_bounds = array<i64: 1, 1024, 2048>}]} {
    %get3A = arith.constant 0 : index
    %get3A_0 = arith.constant 0 : index
    %get3A_1 = vector.load %arg2[%get3A, %get3A_0] : memref<256x1024xf32, #tpu.memory_space<vmem>>, vector<256x1024xf32>
    %convert_element_type3A = arith.truncf %get3A_1 : vector<256x1024xf32> to vector<256x1024xbf16>
    %get3A_2 = arith.constant 0 : index
    %get3A_3 = arith.constant 0 : index
    %get3A_4 = arith.constant 0 : index
    %get3A_5 = vector.load %arg1[%get3A_2, %get3A_3, %get3A_4] : memref<1x2048x256xf32, #tpu.memory_space<vmem>>, vector<1x2048x256xf32>
    %get3A_6 = vector.shape_cast %get3A_5 : vector<1x2048x256xf32> to vector<2048x256xf32>
    %convert_element_type3A_7 = arith.truncf %get3A_6 : vector<2048x256xf32> to vector<2048x256xbf16>
    %dot_general3A = arith.constant dense<0.000000e+00> : vector<1024x2048xf32>
    %dot_general3A_8 = tpu.matmul %convert_element_type3A, %convert_element_type3A_7, %dot_general3A {dimension_numbers = #tpu.dot_dimension_numbers<[0], [1], [1], [0], [0, 1, 1, 0], [], []>, transpose_lhs_hint = false} : vector<256x1024xbf16>, vector<2048x256xbf16>, vector<1024x2048xf32> -> vector<1024x2048xf32>
    %get3A_9 = arith.constant 0 : index
    %get3A_10 = arith.constant 0 : index
    %get3A_11 = vector.load %arg3[%get3A_9, %get3A_10] : memref<1024x1xf32, #tpu.memory_space<vmem>>, vector<1024x1xf32>
    %add3A = vector.broadcast %get3A_11 : vector<1024x1xf32> to vector<1024x2048xf32>
    %add3A_12 = arith.addf %dot_general3A_8, %add3A : vector<1024x2048xf32>
    %swap3A = arith.constant 0 : index
    %swap3A_13 = arith.constant 0 : index
    %swap3A_14 = arith.constant 0 : index
    %swap3A_15 = vector.load %arg4[%swap3A, %swap3A_13, %swap3A_14] : memref<1x1024x2048xf32, #tpu.memory_space<vmem>>, vector<1x1024x2048xf32>
    %swap3A_16 = vector.shape_cast %swap3A_15 : vector<1x1024x2048xf32> to vector<1024x2048xf32>
    %swap3A_17 = vector.shape_cast %add3A_12 : vector<1024x2048xf32> to vector<1x1024x2048xf32>
    tpu.vector_store %arg4[%swap3A, %swap3A_13, %swap3A_14], %swap3A_17 {strides = array<i32>} : memref<1x1024x2048xf32, #tpu.memory_space<vmem>>, vector<1x1024x2048xf32>,
    return
  }
  func.func @transform_0(%arg0: i32) -> (i32, i32, i32) {
    %c0_i32 = arith.constant 0 : i32
    %c0_i32_0 = arith.constant 0 : i32
    %c0_i32_1 = arith.constant 0 : i32
    return %arg0, %c0_i32, %c0_i32_0 : i32, i32, i32
  }
  func.func @transform_1(%arg0: i32) -> (i32, i32) {
    %c0_i32 = arith.constant 0 : i32
    %c0_i32_0 = arith.constant 0 : i32
    %c0_i32_1 = arith.constant 0 : i32
    return %c0_i32, %c0_i32_0 : i32, i32
  }
  func.func @transform_2(%arg0: i32) -> (i32, i32) {
    %c0_i32 = arith.constant 0 : i32
    %c0_i32_0 = arith.constant 0 : i32
    %c0_i32_1 = arith.constant 0 : i32
    return %c0_i32, %c0_i32_0 : i32, i32
  }
  func.func @transform_3(%arg0: i32) -> (i32, i32, i32) {
    %c0_i32 = arith.constant 0 : i32
    %c0_i32_0 = arith.constant 0 : i32
    %c0_i32_1 = arith.constant 0 : i32
    return %arg0, %c0_i32, %c0_i32_0 : i32, i32, i32
  }
}

</mosaic_0001>

<sc_bundles>
// kernel: kernel.5.cloned.1.call-start
scs
__scs_entry_jumppad:
0x0: {  	(pc) =	sbr.rel $0x88, $3  }
0x1: {  	(tag) =	ssettag $0x0;
	lr =	simm.s32 $0x1  }
0x2: {  	[smem:$0x3F9B] =	sst lr;
	_ =	strace $0xD0000000  }
0x3: {  	_ = 	snop  }
0x4: {  	_ = 	snop  }
0x5: {  	_ = 	snop  }
0x6: {  	_ = 	snop  }
0x7: {  	_ = 	snop  }
__scs_overlays_trampoline_lowered:
0x8: {  	[smem:$0x3FAA] =	sst s0  }
0x9: {  	[smem:$0x3FAB] =	sst s1  }
0xa: {  	[smem:$0x3FAC] =	sst s2  }
0xb: {  	[smem:$0x3FAD] =	sst s3  }
0xc: {  	[smem:$0x3FAE] =	sst s4  }
0xd: {  	[smem:$0x3FAF] =	sst s5  }
0xe: {  	[smem:$0x3FB0] =	sst s6  }
0xf: {  	[smem:$0x3FB1] =	sst s7  }
0x10: {  	[smem:$0x3FB2] =	sst s8  }
0x11: {  	[smem:$0x3FB3] =	sst s9;
	s0 =	simm.s32 @!p0 $0x0  }
0x12: {  	s1 =	sld [smem:$0x3F99];
	s0 =	simm.s32 @p0 $0x1  }
0x13: {  	[smem:$0x3FB4] =	sst s0;
	s0 =	simm.s32 @!p1 $0x0  }
0x14: {  	s2 =	sld [smem:$0x3F98];
	s0 =	simm.s32 @p1 $0x1  }
0x15: {  	[smem:$0x3FB5] =	sst s0;
	s0 =	simm.s32 @!p2 $0x0  }
0x16: {  	s3 =	sld [smem:$0x3FDB];
	s0 =	simm.s32 @p2 $0x1  }
0x17: {  	s4 =	simm.s32 $0x1BF5;
	[smem:$0x3FB7] =	sst s0  }
0x18: {  	s0 =	sld [smem:$0x3F9A];
	_ =	swait.ge [sflag:s4], $0x0  }
0x19: {  	s7 =	sld [smem:$0x3F9B]  }
0x1a: {  	s8 =	sadd.s32 $0xFFFFE003, lr  }
0x1b: {  	s9 =	sadd.s32 $0xFFFFFEF7, lr;
	s5 =	simm.s32 $0xFFFFFFFF;
	p2 =	slt.u32 s8, $0xFFFFF086  }
0x1c: {  	p1 =	slt.u32 s9, $0xF7A;
	s5 =	simm.s32 @!p2 $0x0  }
0x1d: {  	s5 =	simm.s32 @p1 $0x1;
	p0 =	seq.s32 s7, s2  }
0x1e: {  	s7 =	smul.u32 @!p0 $0xF7A, s2;
	p2 =	seq.s32 @!p0 s5, $0x0  }
0x1f: {  	s9 =	smul.u32 $0xF7A, s1;
	s8 =	simm.s32 @!p0 $0x1BF5;
	p2 =	por !p2, p0  }
0x20: {  	[sflag:s8] =	ssyncset.s32 @!p0 $0xFFFFF086;
	s6 =	sadd.s32 @!p0 s3, s7;
	s7 =	simm.s32 @!p0 $0x108  }
0x21: {  	s3 =	sadd.s32 s3, s9;
	s6 =	sadd.s32 @!p0 $0x88, s6;
	s7 =	simm.s32 @p2 $0x1082  }
0x22: {  	[simem:s7], [sflag:s8] =	dma.local @!p0 [hbm:s6], $0xF7A  }
0x23: {  	s9 =	sor.u32 $0xD0000000, s2;
	s6 =	simm.s32 $0x108;
	_ =	swait.ge @!p0 [sflag:s8], $0x0  }
0x24: {  	s3 =	sadd.s32 $0x88, s3;
	s6 =	simm.s32 @!p1 $0x1082;
	[sflag:s4] =	ssyncset.s32 $0xFFFFF086  }
0x25: {  	[simem:s6], [sflag:s4] =	dma.local [hbm:s3], $0xF7A  }
0x26: {  	[smem:$0x3F9B] =	sst s1;
	(tag) =	ssettag s2;
	_ =	strace s9  }
0x27: {  	s1 =	sld [smem:$0x3FAB]  }
0x28: {  	s2 =	sld [smem:$0x3FAC]  }
0x29: {  	s4 =	sld [smem:$0x3FAE]  }
0x2a: {  	p0 =	seq.s32 s5, $0x0;
	s5 =	sld [smem:$0x3FAF]  }
0x2b: {  	s6 =	sld [smem:$0x3FB0]  }
0x2c: {  	s7 =	sld [smem:$0x3FB1]  }
0x2d: {  	s3 =	simm.s32 $0x108;
	s8 =	sld [smem:$0x3FB2]  }
0x2e: {  	s3 =	simm.s32 @!p0 $0x1082;
	s9 =	sld [smem:$0x3FB3]  }
0x2f: {  	lr =	sadd.s32 s0, s3;
	s0 =	sld [smem:$0x3FAA]  }
0x30: {  	s3 =	sld [smem:$0x3FAD]  }
0x31: {  	[smem:$0x3FB6] =	sst s10  }
0x32: {  	s10 =	sld [smem:$0x3FB4];
	_ =	sdelay $0x3  }
0x33: {  	p0 =	seq.s32 s10, $0x1;
	s10 =	sld [smem:$0x3FB6];
	_ =	sdelay $0x3  }
0x34: {  	[smem:$0x3FB6] =	sst s10  }
0x35: {  	s10 =	sld [smem:$0x3FB5];
	_ =	sdelay $0x3  }
0x36: {  	p1 =	seq.s32 s10, $0x1;
	s10 =	sld [smem:$0x3FB6];
	_ =	sdelay $0x3  }
0x37: {  	[smem:$0x3FB6] =	sst s10  }
0x38: {  	s10 =	sld [smem:$0x3FB7]  }
0x39: {  	_ = 	snop;
	(pc) =	sbr.ind lr, $3  }
0x3a: {  	_ = 	snop  }
0x3b: {  	_ = 	snop  }
0x3c: {  	p2 =	seq.s32 s10, $0x1;
	s10 =	sld [smem:$0x3FB6]  }
0x3d: {  	_ =	shalt  }
0x3e: {  	_ =	shalt  }
0x3f: {  	_ =	shalt  }
0x40: {  	_ =	shalt  }
0x41: {  	_ =	shalt  }
0x42: {  	_ =	shalt  }
0x43: {  	_ =	shalt  }
0x44: {  	_ =	shalt  }
0x45: {  	_ =	shalt  }
0x46: {  	_ =	shalt  }
0x47: {  	_ =	shalt  }
0x48: {  	_ =	shalt  }
0x49: {  	_ =	shalt  }
0x4a: {  	_ =	shalt  }
0x4b: {  	_ =	shalt  }
0x4c: {  	_ =	shalt  }
0x4d: {  	_ =	shalt  }
0x4e: {  	_ =	shalt  }
0x4f: {  	_ =	shalt  }
0x50: {  	_ =	shalt  }
0x51: {  	_ =	shalt  }
0x52: {  	_ =	shalt  }
0x53: {  	_ =	shalt  }
0x54: {  	_ =	shalt  }
0x55: {  	_ =	shalt  }
0x56: {  	_ =	shalt  }
0x57: {  	_ =	shalt  }
0x58: {  	_ =	shalt  }
0x59: {  	_ =	shalt  }
0x5a: {  	_ =	shalt  }
0x5b: {  	_ =	shalt  }
0x5c: {  	_ =	shalt  }
0x5d: {  	_ =	shalt  }
0x5e: {  	_ =	shalt  }
0x5f: {  	_ =	shalt  }
0x60: {  	_ =	shalt  }
0x61: {  	_ =	shalt  }
0x62: {  	_ =	shalt  }
0x63: {  	_ =	shalt  }
0x64: {  	_ =	shalt  }
0x65: {  	_ =	shalt  }
0x66: {  	_ =	shalt  }
0x67: {  	_ =	shalt  }
0x68: {  	_ =	shalt  }
0x69: {  	_ =	shalt  }
0x6a: {  	_ =	shalt  }
0x6b: {  	_ =	shalt  }
0x6c: {  	_ =	shalt  }
0x6d: {  	_ =	shalt  }
0x6e: {  	_ =	shalt  }
0x6f: {  	_ =	shalt  }
0x70: {  	_ =	shalt  }
0x71: {  	_ =	shalt  }
0x72: {  	_ =	shalt  }
0x73: {  	_ =	shalt  }
0x74: {  	_ =	shalt  }
0x75: {  	_ =	shalt  }
0x76: {  	_ =	shalt  }
0x77: {  	_ =	shalt  }
0x78: {  	_ =	shalt  }
0x79: {  	_ =	shalt  }
0x7a: {  	_ =	shalt  }
0x7b: {  	_ =	shalt  }
0x7c: {  	_ =	shalt  }
0x7d: {  	_ =	shalt  }
0x7e: {  	_ =	shalt  }
0x7f: {  	_ =	shalt  }
0x80: {  	_ =	shalt  }
0x81: {  	_ =	shalt  }
0x82: {  	_ =	shalt  }
0x83: {  	_ =	shalt  }
0x84: {  	_ =	shalt  }
0x85: {  	_ =	shalt  }
0x86: {  	_ =	shalt  }
0x87: {  	_ =	shalt  }
.Lfunc_end0:
.L_simem_size_0:
called_computation_lowered:
.L_overlay_start_0:
0x88: {  	s2 =	sld [smem:$0x3FD9]  }
0x89: {  	s3 =	sld [smem:$0x3FFE];
	_ =	sdelay $0x1  }
0x8a: {  	s1 =	srdreg.scid  }
0x8b: {  	s0 =	sand.u32 $0x1, s1  }
0x8c: {  	s17 =	sshll.u32 s0, $0xA;
	s2 =	sadd.s32 s3, s2  }
0x8d: {  	s2 =	sadd.s32 s2, s17  }
0x8e: {  	[smem:$0x3FC2] =	sst s2  }
0x8f: {  	_ = 	snop  }
0x90: {  	s2 =	sld [smem:$0x3FC6]  }
0x91: {  	s18 =	sld [smem:$0x3FD0];
	(tm) =	ssettm $0x1  }
0x92: {  	s4 =	sld [smem:$0x3FFB];
	_ =	sdelay $0x3  }
0x93: {  	_ =	strace s4  }
0x94: {  	s4 =	sld [smem:$0x3FFC];
	_ =	sdelay $0x3  }
0x95: {  	_ =	strace s4  }
0x96: {  	s4 =	sld [smem:$0x3FFD];
	_ =	sdelay $0x3  }
0x97: {  	_ =	strace s4  }
0x98: {  	_ =	strace $0x8FFFFFFF  }
0x99: {  	s19 =	sld [smem:$0x3FDB];
	_ =	sdelay $0x1  }
0x9a: {  	s5 =	simm.s32 $_scs_section_size  }
0x9b: {  	s6 =	simm.s32 $_size__tile_overlayer_lowered;
	s7 =	simm.s32 $_tile_overlayer_lowered  }
0x9c: {  	s22 =	simm.s32 $0x1BFF;
	s21 =	sshll.u32 s7, $0x1;
	s4 =	sadd.s32 s5, s19  }
0x9d: {  	s8 =	simm.s32 $0x0;
	s20 =	sshll.u32 s6, $0x1;
	s6 =	sadd.s32 s21, s4  }
0x9e: {  	[timem:s8], [sflag:s22] =	dma.local [hbm:s6], s20  }
0x9f: {  	_ =	swait.ge [sflag:s22], s20  }
0xa0: {  	s5 =	ssub.s32 $0x0, s20;
	[sflag:s22] =	ssyncset.done $0x0  }
0xa1: {  	[sflag:s22] =	ssyncadd.s32 s5;
	_ =	sdelay $0x1  }
0xa2: {  	s23 =	simm.s32 $0x1B8B  }
0xa3: {  	_ =	swait.ge [sflag:s23], $0x1  }
0xa4: {  	[sflag:s23] =	ssyncset.done $0x0  }
0xa5: {  	s25 =	simm.s32 $0x1B8E;
	s24 =	sld [smem:$0x3FFE];
	[sflag:s23] =	ssyncadd.s32 $0xFFFFFFFF  }
0xa6: {  	s26 =	simm.s32 $execute0_lowered;
	[smem:$0x3FD2] =	sst s25  }
0xa7: {  	s6 =	sshll.u32 s26, $0x1;
	_ =	strace $0x80000046;
	[dreg:$0x1] =	wrdreg $0xFFFFFFFF  }
0xa8: {  	s28 =	simm.s32 $_size_execute0_lowered;
	s4 =	sadd.s32 s4, s6;
	[dreg:$0x0] =	wrdreg $0x0  }
0xa9: {  	s6 =	sshll.u32 s28, $0x1;
	[dreg:$0x2] =	wrdreg s4  }
0xaa: {  	[dreg:$0x3] =	wrdreg s6  }
0xab: {  	[dreg:$0x4] =	wrdreg $0xC0  }
0xac: {  	_ =	task [dreg:s8], $0x5FFFF  }
0xad: {  	[dreg:$0x1] =	wrdreg $0xFFFFFFFF  }
0xae: {  	[dreg:$0x0] =	wrdreg $0x60  }
0xaf: {  	[dreg:$0x2] =	wrdreg s2  }
0xb0: {  	[dreg:$0x3] =	wrdreg s24  }
0xb1: {  	[dreg:$0x4] =	wrdreg s18  }
0xb2: {  	[dreg:$0x5] =	wrdreg $0x9  }
0xb3: {  	_ =	task.clear_ibuf [dreg:s8], $0x6FFFF;
	_ =	strace $0x90000046  }
0xb4: {  	s29 =	simm.s32 $0x9;
	_ =	strace $0x80000048  }
0xb5: {  	_ =	swait.ge [sflag:s29], $0x1  }
0xb6: {  	[sflag:s29] =	ssyncadd.s32 $0xFFFFFFFF  }
0xb7: {  	_ =	strace $0x90000048  }
0xb8: {  	_ =	sfence  }
0xb9: {  	s30 =	sld [smem:$0x0];
	_ =	sdelay $0x2  }
0xba: {  	s31 =	sshll.u32 s1, $0xD;
	s1 =	sshrl.u32 s1, $0x2  }
0xbb: {  	s3 =	sand.u32 $0x4000, s31;
	s1 =	sadd.s32 s1, s30  }
0xbc: {  	s0 =	sor.u32 s3, s0;
	s1 =	sshll.u32 s1, $0x11  }
0xbd: {  	s0 =	sor.u32 s1, s0  }
0xbe: {  	s0 =	sadd.s32 $0x8F2B, s0  }
0xbf: {  	[sflag:s0] =	ssyncadd.remote.s32 $0x1  }
0xc0: {  	_ =	sfence.sel $0xFFFF  }
0xc1: {  	[dreg:$0x0] =	wrdreg $0xFFFFFFFF;
	(pc) =	sbr.abs _section_cstart, $3  }
0xc2: {  	[dreg:$0x1] =	wrdreg $0xFFFFFFFF  }
0xc3: {  	_ =	task.clear_ibuf [dreg:s8], $0x2FFFF;
	_ =	strace $0x9FFFFFFF  }
0xc4: {  	(tm) =	ssettm $0x7FFFFFFF  }
0xc5: {  	_ =	shalt  }
tec
execute0_lowered:
.L_overlay_start_1:
0x0: {  	(tag) =	ssettag $0x1  }
0x1: {  	s1 =	rddreg [dreg:$0x0]  }
0x2: {  	s0 =	rddreg [dreg:$0x1]  }
0x3: {  	s4 =	rddreg [dreg:$0x2]  }
0x4: {  	s3 =	srdreg.scid;
	s2 =	stileid.u32  }
0x5: {  	s17 =	simm.s32 $0x900;
	s18 =	simm.s32 $0x1100;
	s19 =	simm.s32 $0x1900  }
0x6: {  	s20 =	simm.s32 $0x2100;
	s5 =	sand.u32 $0x1, s3;
	s3 =	simm.s32 $0x0  }
0x7: {  	s22 =	simm.s32 $0x2900;
	s23 =	simm.s32 $0x3100;
	[smem:$0x7FF] =	sst s3  }
0x8: {  	s24 =	simm.s32 $0x3900;
	_ =	strace $0x80000047;
	[dreg:$0x8] =	wrdreg s17  }
0x9: {  	s25 =	simm.s32 $0x4100;
	s26 =	simm.s32 $0x4900;
	[dreg:$0x9] =	wrdreg s18  }
0xa: {  	s10 =	simm.s32 $0x6900;
	s11 =	simm.s32 $0x7100;
	[dreg:$0xa] =	wrdreg s19  }
0xb: {  	s12 =	simm.s32 $0x7900;
	s13 =	simm.s32 $0x80;
	[dreg:$0xb] =	wrdreg s20  }
0xc: {  	s28 =	simm.s32 $0xE900;
	s29 =	simm.s32 $0xF100;
	[dreg:$0xc] =	wrdreg s22  }
0xd: {  	s30 =	simm.s32 $0xF900;
	s31 =	simm.s32 $0x1;
	[dreg:$0xd] =	wrdreg s23  }
0xe: {  	s6 =	sshll.u32 s2, $0x9;
	s0 =	sadd.s32 $0x1200, s0;
	[dreg:$0xe] =	wrdreg s24  }
0xf: {  	s7 =	sshll.u32 s5, $0x8;
	s21 =	ssub.s32 $0x2, s5;
	[dreg:$0xf] =	wrdreg s25  }
0x10: {  	s6 =	sor.u32 s7, s6;
	s5 =	sshrl.u32 s21, $0x1;
	[dreg:$0x10] =	wrdreg s26  }
0x11: {  	s17 =	simm.s32 $0x9900;
	s18 =	simm.s32 $0xA100;
	s19 =	simm.s32 $0xA900  }
0x12: {  	s20 =	simm.s32 $0xB100;
	s22 =	simm.s32 $0xC100;
	s23 =	simm.s32 $0xC900  }
0x13: {  	s24 =	simm.s32 $0xD100;
	s25 =	simm.s32 $0xD900;
	s26 =	simm.s32 $0xE100  }
0x14: {  	s7 =	sshrl.u32 s6, $0x3;
	s8 =	sor.u32 $0x80, s6;
	s6 =	sshll.u32 s6, $0x5  }
0x15: {  	s7 =	sadd.s32 s0, s7;
	s9 =	sshrl.u32 s8, $0x3;
	s14 =	sadd.s32 s4, s6  }
0x16: {  	s15 =	sshll.u32 s8, $0x5;
	s6 =	simm.s32 $0x100;
	[dreg:$0x4] =	wrdreg s7  }
0x17: {  	s8 =	simm.s32 $0x5900;
	s0 =	sadd.s32 s0, s9;
	[dreg:$0x6] =	wrdreg s14  }
0x18: {  	s16 =	sadd.s32 s4, s15;
	s4 =	ssub.s32 s21, s5;
	s5 =	simm.s32 $0x3  }
0x19: {  	v2 =	vlaneseq.u32;
	s9 =	simm.s32 $0x6100;
	s14 =	simm.s32 $0x8100;
	[dreg:$0x5] =	wrdreg s0  }
0x1a: {  	vm0 =	vmmov $0xffff;
	v1 =	vshrl.u32 v2, $0x3;
	s15 =	simm.s32 $0x8900;
	s21 =	simm.s32 $0xB900;
	[dreg:$0x7] =	wrdreg s16  }
0x1b: {  	v0 =	vand.u32 $0x7, v2;
	v2 =	vor.u32 $0x8, v2;
	v1 =	vmul.u32 $0x8, v1;
	s4 =	smax.u32 s4, $0x1;
	s16 =	simm.s32 $0x9100;
	s0 =	simm.s32 $0x2  }
.LBB2_1:
0x1c: {  	s2 =	rddreg [dreg:$0x4]  }
0x1d: {  	[tilespmem:s3], [sflag:$0x3] =	stream.linear.gather [hbm4b:s2+s3], $0x80, $0x38;
	[tilespmem:$0x10100] =	vst v63  }
0x1e: {  	_ =	swait.ge [sflag:s5], $0x80  }
0x1f: {  	[sflag:s5] =	ssyncset.done $0x0  }
0x20: {  	[sflag:s5] =	ssyncadd.s32 $0xFFFFFF80  }
0x21: {  	v3 =	vld [tilespmem:$0x0];
	_ =	sdelay $0x4  }
0x22: {  	v4 =	vshll.u32 v3, $0x1  }
0x23: {  	v3 =	vand.u32 $0x7, v3;
	v4 =	vand.u32 $0xFFFFFFF0, v4  }
0x24: {  	v3 =	vor.u32 v3, v4  }
0x25: {  	v4 =	vperm.xlane v3, v0;
	_ =	sdelay $0x1  }
0x26: {  	v3 =	vperm.xlane v3, v2;
	v4 =	vadd.s32 v1, v4;
	_ =	sdelay $0x1  }
0x27: {  	v3 =	vadd.s32 v1, v3;
	_ =	sdelay $0x2  }
0x28: {  	[tilespmem:s6], [sflag:$0x1] =	stream.indirect_vreg.gather [hbm4b:s1+s3], $0x80, v4, vm0, $0xb8;
	[tilespmem:$0x10100] =	vst v63  }
0x29: {  	s7 =	rddreg [dreg:$0x8]  }
0x2a: {  	[tilespmem:s7], [sflag:$0x1] =	stream.indirect_vreg.gather [hbm4b:s1+s3], $0x80, v3, vm0, $0xb8;
	[tilespmem:$0x10100] =	vst v63  }
0x2b: {  	v3 =	vld [tilespmem:$0x10];
	_ =	sdelay $0x4  }
0x2c: {  	v49 =	vshll.u32 v3, $0x1  }
0x2d: {  	v3 =	vand.u32 $0x7, v3;
	v4 =	vand.u32 $0xFFFFFFF0, v49  }
0x2e: {  	v3 =	vor.u32 v3, v4  }
0x2f: {  	v4 =	vperm.xlane v3, v0;
	_ =	sdelay $0x1  }
0x30: {  	v3 =	vperm.xlane v3, v2;
	v4 =	vadd.s32 v1, v4;
	_ =	sdelay $0x1  }
0x31: {  	v3 =	vadd.s32 v1, v3;
	_ =	sdelay $0x1  }
0x32: {  	s2 =	rddreg [dreg:$0x9]  }
0x33: {  	[tilespmem:s2], [sflag:$0x1] =	stream.indirect_vreg.gather [hbm4b:s1+s3], $0x80, v4, vm0, $0xb8;
	[tilespmem:$0x10100] =	vst v63  }
0x34: {  	s7 =	rddreg [dreg:$0xa]  }
0x35: {  	[tilespmem:s7], [sflag:$0x1] =	stream.indirect_vreg.gather [hbm4b:s1+s3], $0x80, v3, vm0, $0xb8;
	[tilespmem:$0x10100] =	vst v63  }
0x36: {  	v3 =	vld [tilespmem:$0x20];
	_ =	sdelay $0x4  }
0x37: {  	v50 =	vshll.u32 v3, $0x1  }
0x38: {  	v3 =	vand.u32 $0x7, v3;
	v4 =	vand.u32 $0xFFFFFFF0, v50  }
0x39: {  	v3 =	vor.u32 v3, v4  }
0x3a: {  	v4 =	vperm.xlane v3, v0;
	_ =	sdelay $0x1  }
0x3b: {  	v3 =	vperm.xlane v3, v2;
	v4 =	vadd.s32 v1, v4;
	_ =	sdelay $0x1  }
0x3c: {  	v3 =	vadd.s32 v1, v3;
	_ =	sdelay $0x1  }
0x3d: {  	s2 =	rddreg [dreg:$0xb]  }
0x3e: {  	[tilespmem:s2], [sflag:$0x1] =	stream.indirect_vreg.gather [hbm4b:s1+s3], $0x80, v4, vm0, $0xb8;
	[tilespmem:$0x10100] =	vst v63  }
0x3f: {  	s7 =	rddreg [dreg:$0xc]  }
0x40: {  	[tilespmem:s7], [sflag:$0x1] =	stream.indirect_vreg.gather [hbm4b:s1+s3], $0x80, v3, vm0, $0xb8;
	[tilespmem:$0x10100] =	vst v63  }
0x41: {  	v3 =	vld [tilespmem:$0x30];
	_ =	sdelay $0x4  }
0x42: {  	v51 =	vshll.u32 v3, $0x1  }
0x43: {  	v3 =	vand.u32 $0x7, v3;
	v4 =	vand.u32 $0xFFFFFFF0, v51  }
0x44: {  	v3 =	vor.u32 v3, v4  }
0x45: {  	v4 =	vperm.xlane v3, v0;
	_ =	sdelay $0x1  }
0x46: {  	v3 =	vperm.xlane v3, v2;
	v4 =	vadd.s32 v1, v4;
	_ =	sdelay $0x1  }
0x47: {  	v3 =	vadd.s32 v1, v3;
	_ =	sdelay $0x1  }
0x48: {  	s2 =	rddreg [dreg:$0xd]  }
0x49: {  	[tilespmem:s2], [sflag:$0x1] =	stream.indirect_vreg.gather [hbm4b:s1+s3], $0x80, v4, vm0, $0xb8;
	[tilespmem:$0x10100] =	vst v63  }
0x4a: {  	s7 =	rddreg [dreg:$0xe]  }
0x4b: {  	[tilespmem:s7], [sflag:$0x1] =	stream.indirect_vreg.gather [hbm4b:s1+s3], $0x80, v3, vm0, $0xb8;
	[tilespmem:$0x10100] =	vst v63  }
0x4c: {  	v3 =	vld [tilespmem:$0x40];
	_ =	sdelay $0x4  }
0x4d: {  	v52 =	vshll.u32 v3, $0x1  }
0x4e: {  	v3 =	vand.u32 $0x7, v3;
	v4 =	vand.u32 $0xFFFFFFF0, v52  }
0x4f: {  	v3 =	vor.u32 v3, v4  }
0x50: {  	v4 =	vperm.xlane v3, v0;
	_ =	sdelay $0x1  }
0x51: {  	v3 =	vperm.xlane v3, v2;
	v4 =	vadd.s32 v1, v4;
	_ =	sdelay $0x1  }
0x52: {  	v3 =	vadd.s32 v1, v3;
	_ =	sdelay $0x1  }
0x53: {  	s2 =	rddreg [dreg:$0xf]  }
0x54: {  	[tilespmem:s2], [sflag:$0x1] =	stream.indirect_vreg.gather [hbm4b:s1+s3], $0x80, v4, vm0, $0xb8;
	[tilespmem:$0x10100] =	vst v63  }
0x55: {  	s7 =	rddreg [dreg:$0x10]  }
0x56: {  	[tilespmem:s7], [sflag:$0x1] =	stream.indirect_vreg.gather [hbm4b:s1+s3], $0x80, v3, vm0, $0xb8;
	[tilespmem:$0x10100] =	vst v63  }
0x57: {  	v3 =	vld [tilespmem:$0x50];
	_ =	sdelay $0x4  }
0x58: {  	v53 =	vshll.u32 v3, $0x1  }
0x59: {  	v3 =	vand.u32 $0x7, v3;
	v4 =	vand.u32 $0xFFFFFFF0, v53  }
0x5a: {  	v3 =	vor.u32 v3, v4  }
0x5b: {  	v4 =	vperm.xlane v3, v0;
	_ =	sdelay $0x1  }
0x5c: {  	v3 =	vperm.xlane v3, v2;
	v4 =	vadd.s32 v1, v4;
	_ =	sdelay $0x1  }
0x5d: {  	v3 =	vadd.s32 v1, v3;
	_ =	sdelay $0x1  }
0x5e: {  	s7 =	simm.s32 $0x5100  }
0x5f: {  	[tilespmem:s7], [sflag:$0x1] =	stream.indirect_vreg.gather [hbm4b:s1+s3], $0x80, v4, vm0, $0xb8;
	[tilespmem:$0x10100] =	vst v63  }
0x60: {  	_ = 	snop  }
0x61: {  	[tilespmem:s8], [sflag:$0x1] =	stream.indirect_vreg.gather [hbm4b:s1+s3], $0x80, v3, vm0, $0xb8;
	[tilespmem:$0x10100] =	vst v63  }
0x62: {  	v3 =	vld [tilespmem:$0x60];
	_ =	sdelay $0x4  }
0x63: {  	v54 =	vshll.u32 v3, $0x1  }
0x64: {  	v3 =	vand.u32 $0x7, v3;
	v4 =	vand.u32 $0xFFFFFFF0, v54  }
0x65: {  	v3 =	vor.u32 v3, v4  }
0x66: {  	v4 =	vperm.xlane v3, v0;
	_ =	sdelay $0x1  }
0x67: {  	v3 =	vperm.xlane v3, v2;
	v4 =	vadd.s32 v1, v4;
	_ =	sdelay $0x1  }
0x68: {  	v3 =	vadd.s32 v1, v3;
	_ =	sdelay $0x2  }
0x69: {  	[tilespmem:s9], [sflag:$0x1] =	stream.indirect_vreg.gather [hbm4b:s1+s3], $0x80, v4, vm0, $0xb8;
	[tilespmem:$0x10100] =	vst v63  }
0x6a: {  	_ = 	snop  }
0x6b: {  	[tilespmem:s10], [sflag:$0x1] =	stream.indirect_vreg.gather [hbm4b:s1+s3], $0x80, v3, vm0, $0xb8;
	[tilespmem:$0x10100] =	vst v63  }
0x6c: {  	v3 =	vld [tilespmem:$0x70];
	_ =	sdelay $0x4  }
0x6d: {  	v55 =	vshll.u32 v3, $0x1  }
0x6e: {  	v3 =	vand.u32 $0x7, v3;
	v4 =	vand.u32 $0xFFFFFFF0, v55  }
0x6f: {  	v3 =	vor.u32 v3, v4  }
0x70: {  	v4 =	vperm.xlane v3, v0;
	_ =	sdelay $0x1  }
0x71: {  	v3 =	vperm.xlane v3, v2;
	v4 =	vadd.s32 v1, v4;
	_ =	sdelay $0x1  }
0x72: {  	v3 =	vadd.s32 v1, v3;
	_ =	sdelay $0x2  }
0x73: {  	[tilespmem:s11], [sflag:$0x1] =	stream.indirect_vreg.gather [hbm4b:s1+s3], $0x80, v4, vm0, $0xb8;
	[tilespmem:$0x10100] =	vst v63  }
0x74: {  	_ = 	snop  }
0x75: {  	[tilespmem:s12], [sflag:$0x1] =	stream.indirect_vreg.gather [hbm4b:s1+s3], $0x80, v3, vm0, $0xb8;
	[tilespmem:$0x10100] =	vst v63  }
0x76: {  	s7 =	rddreg [dreg:$0x5]  }
0x77: {  	[tilespmem:s13], [sflag:$0x3] =	stream.linear.gather [hbm4b:s7+s3], $0x80, $0x38;
	[tilespmem:$0x10100] =	vst v63  }
0x78: {  	_ =	swait.ge [sflag:s5], $0x80  }
0x79: {  	[sflag:s5] =	ssyncset.done $0x0  }
0x7a: {  	[sflag:s5] =	ssyncadd.s32 $0xFFFFFF80  }
0x7b: {  	v3 =	vld [tilespmem:$0x80];
	_ =	sdelay $0x4  }
0x7c: {  	v56 =	vshll.u32 v3, $0x1  }
0x7d: {  	v3 =	vand.u32 $0x7, v3;
	v4 =	vand.u32 $0xFFFFFFF0, v56  }
0x7e: {  	v3 =	vor.u32 v3, v4  }
0x7f: {  	v4 =	vperm.xlane v3, v0;
	_ =	sdelay $0x1  }
0x80: {  	v3 =	vperm.xlane v3, v2;
	v4 =	vadd.s32 v1, v4;
	_ =	sdelay $0x1  }
0x81: {  	v3 =	vadd.s32 v1, v3;
	_ =	sdelay $0x2  }
0x82: {  	[tilespmem:s14], [sflag:$0x2] =	stream.indirect_vreg.gather [hbm4b:s1+s3], $0x80, v4, vm0, $0xb8;
	[tilespmem:$0x10100] =	vst v63  }
0x83: {  	_ = 	snop  }
0x84: {  	[tilespmem:s15], [sflag:$0x2] =	stream.indirect_vreg.gather [hbm4b:s1+s3], $0x80, v3, vm0, $0xb8;
	[tilespmem:$0x10100] =	vst v63  }
0x85: {  	v3 =	vld [tilespmem:$0x90];
	_ =	sdelay $0x4  }
0x86: {  	v57 =	vshll.u32 v3, $0x1  }
0x87: {  	v3 =	vand.u32 $0x7, v3;
	v4 =	vand.u32 $0xFFFFFFF0, v57  }
0x88: {  	v3 =	vor.u32 v3, v4  }
0x89: {  	v4 =	vperm.xlane v3, v0;
	_ =	sdelay $0x1  }
0x8a: {  	v3 =	vperm.xlane v3, v2;
	v4 =	vadd.s32 v1, v4;
	_ =	sdelay $0x1  }
0x8b: {  	v3 =	vadd.s32 v1, v3;
	_ =	sdelay $0x2  }
0x8c: {  	[tilespmem:s16], [sflag:$0x2] =	stream.indirect_vreg.gather [hbm4b:s1+s3], $0x80, v4, vm0, $0xb8;
	[tilespmem:$0x10100] =	vst v63  }
0x8d: {  	_ = 	snop  }
0x8e: {  	[tilespmem:s17], [sflag:$0x2] =	stream.indirect_vreg.gather [hbm4b:s1+s3], $0x80, v3, vm0, $0xb8;
	[tilespmem:$0x10100] =	vst v63  }
0x8f: {  	v3 =	vld [tilespmem:$0xA0];
	_ =	sdelay $0x4  }
0x90: {  	v58 =	vshll.u32 v3, $0x1  }
0x91: {  	v3 =	vand.u32 $0x7, v3;
	v4 =	vand.u32 $0xFFFFFFF0, v58  }
0x92: {  	v3 =	vor.u32 v3, v4  }
0x93: {  	v4 =	vperm.xlane v3, v0;
	_ =	sdelay $0x1  }
0x94: {  	v3 =	vperm.xlane v3, v2;
	v4 =	vadd.s32 v1, v4;
	_ =	sdelay $0x1  }
0x95: {  	v3 =	vadd.s32 v1, v3;
	_ =	sdelay $0x2  }
0x96: {  	[tilespmem:s18], [sflag:$0x2] =	stream.indirect_vreg.gather [hbm4b:s1+s3], $0x80, v4, vm0, $0xb8;
	[tilespmem:$0x10100] =	vst v63  }
0x97: {  	_ = 	snop  }
0x98: {  	[tilespmem:s19], [sflag:$0x2] =	stream.indirect_vreg.gather [hbm4b:s1+s3], $0x80, v3, vm0, $0xb8;
	[tilespmem:$0x10100] =	vst v63  }
0x99: {  	v3 =	vld [tilespmem:$0xB0];
	_ =	sdelay $0x4  }
0x9a: {  	v59 =	vshll.u32 v3, $0x1  }
0x9b: {  	v3 =	vand.u32 $0x7, v3;
	v4 =	vand.u32 $0xFFFFFFF0, v59  }
0x9c: {  	v3 =	vor.u32 v3, v4  }
0x9d: {  	v4 =	vperm.xlane v3, v0;
	_ =	sdelay $0x1  }
0x9e: {  	v3 =	vperm.xlane v3, v2;
	v4 =	vadd.s32 v1, v4;
	_ =	sdelay $0x1  }
0x9f: {  	v3 =	vadd.s32 v1, v3;
	_ =	sdelay $0x2  }
0xa0: {  	[tilespmem:s20], [sflag:$0x2] =	stream.indirect_vreg.gather [hbm4b:s1+s3], $0x80, v4, vm0, $0xb8;
	[tilespmem:$0x10100] =	vst v63  }
0xa1: {  	_ = 	snop  }
0xa2: {  	[tilespmem:s21], [sflag:$0x2] =	stream.indirect_vreg.gather [hbm4b:s1+s3], $0x80, v3, vm0, $0xb8;
	[tilespmem:$0x10100] =	vst v63  }
0xa3: {  	v3 =	vld [tilespmem:$0xC0];
	_ =	sdelay $0x4  }
0xa4: {  	v60 =	vshll.u32 v3, $0x1  }
0xa5: {  	v3 =	vand.u32 $0x7, v3;
	v4 =	vand.u32 $0xFFFFFFF0, v60  }
0xa6: {  	v3 =	vor.u32 v3, v4  }
0xa7: {  	v4 =	vperm.xlane v3, v0;
	_ =	sdelay $0x1  }
0xa8: {  	v3 =	vperm.xlane v3, v2;
	v4 =	vadd.s32 v1, v4;
	_ =	sdelay $0x1  }
0xa9: {  	v3 =	vadd.s32 v1, v3;
	_ =	sdelay $0x2  }
0xaa: {  	[tilespmem:s22], [sflag:$0x2] =	stream.indirect_vreg.gather [hbm4b:s1+s3], $0x80, v4, vm0, $0xb8;
	[tilespmem:$0x10100] =	vst v63  }
0xab: {  	_ = 	snop  }
0xac: {  	[tilespmem:s23], [sflag:$0x2] =	stream.indirect_vreg.gather [hbm4b:s1+s3], $0x80, v3, vm0, $0xb8;
	[tilespmem:$0x10100] =	vst v63  }
0xad: {  	v3 =	vld [tilespmem:$0xD0];
	_ =	sdelay $0x4  }
0xae: {  	v61 =	vshll.u32 v3, $0x1  }
0xaf: {  	v3 =	vand.u32 $0x7, v3;
	v4 =	vand.u32 $0xFFFFFFF0, v61  }
0xb0: {  	v3 =	vor.u32 v3, v4  }
0xb1: {  	v4 =	vperm.xlane v3, v0;
	_ =	sdelay $0x1  }
0xb2: {  	v3 =	vperm.xlane v3, v2;
	v4 =	vadd.s32 v1, v4;
	_ =	sdelay $0x1  }
0xb3: {  	v3 =	vadd.s32 v1, v3;
	_ =	sdelay $0x2  }
0xb4: {  	[tilespmem:s24], [sflag:$0x2] =	stream.indirect_vreg.gather [hbm4b:s1+s3], $0x80, v4, vm0, $0xb8;
	[tilespmem:$0x10100] =	vst v63  }
0xb5: {  	_ = 	snop  }
0xb6: {  	[tilespmem:s25], [sflag:$0x2] =	stream.indirect_vreg.gather [hbm4b:s1+s3], $0x80, v3, vm0, $0xb8;
	[tilespmem:$0x10100] =	vst v63  }
0xb7: {  	v3 =	vld [tilespmem:$0xE0];
	_ =	sdelay $0x4  }
0xb8: {  	v62 =	vshll.u32 v3, $0x1  }
0xb9: {  	v3 =	vand.u32 $0x7, v3;
	v4 =	vand.u32 $0xFFFFFFF0, v62  }
0xba: {  	v3 =	vor.u32 v3, v4  }
0xbb: {  	v4 =	vperm.xlane v3, v0;
	_ =	sdelay $0x1  }
0xbc: {  	v3 =	vperm.xlane v3, v2;
	v4 =	vadd.s32 v1, v4;
	_ =	sdelay $0x1  }
0xbd: {  	v3 =	vadd.s32 v1, v3;
	_ =	sdelay $0x2  }
0xbe: {  	[tilespmem:s26], [sflag:$0x2] =	stream.indirect_vreg.gather [hbm4b:s1+s3], $0x80, v4, vm0, $0xb8;
	[tilespmem:$0x10100] =	vst v63  }
0xbf: {  	_ = 	snop  }
0xc0: {  	[tilespmem:s28], [sflag:$0x2] =	stream.indirect_vreg.gather [hbm4b:s1+s3], $0x80, v3, vm0, $0xb8;
	[tilespmem:$0x10100] =	vst v63  }
0xc1: {  	v3 =	vld [tilespmem:$0xF0];
	_ =	sdelay $0x4  }
0xc2: {  	v63 =	vshll.u32 v3, $0x1  }
0xc3: {  	v3 =	vand.u32 $0x7, v3;
	v4 =	vand.u32 $0xFFFFFFF0, v63  }
0xc4: {  	v3 =	vor.u32 v3, v4  }
0xc5: {  	v4 =	vperm.xlane v3, v0;
	_ =	sdelay $0x1  }
0xc6: {  	v3 =	vperm.xlane v3, v2;
	v4 =	vadd.s32 v1, v4;
	_ =	sdelay $0x1  }
0xc7: {  	v3 =	vadd.s32 v1, v3;
	_ =	sdelay $0x2  }
0xc8: {  	[tilespmem:s29], [sflag:$0x2] =	stream.indirect_vreg.gather [hbm4b:s1+s3], $0x80, v4, vm0, $0xb8;
	[tilespmem:$0x10100] =	vst v63  }
0xc9: {  	_ = 	snop  }
0xca: {  	[tilespmem:s30], [sflag:$0x2] =	stream.indirect_vreg.gather [hbm4b:s1+s3], $0x80, v3, vm0, $0xb8;
	[tilespmem:$0x10100] =	vst v63  }
0xcb: {  	_ =	swait.ge [sflag:s31], $0x8000  }
0xcc: {  	[sflag:s31] =	ssyncset.done $0x0  }
0xcd: {  	s7 =	rddreg [dreg:$0x6];
	[sflag:s31] =	ssyncadd.s32 $0xFFFF8000  }
0xce: {  	[hbm4b:s7+s3] =	stream.linear.scatter [tilespmem:s6], [sflag:$0x3], $0x8000, $0x38;
	[tilespmem:$0x10100] =	vst v63  }
0xcf: {  	_ =	swait.ge [sflag:s5], $0x8000  }
0xd0: {  	[sflag:s5] =	ssyncset.done $0x0  }
0xd1: {  	[sflag:s5] =	ssyncadd.s32 $0xFFFF8000  }
0xd2: {  	_ =	swait.ge [sflag:s0], $0x8000  }
0xd3: {  	p0 =	sne.s32 s4, $0x1;
	[sflag:s0] =	ssyncset.done $0x0  }
.Ltmp0:
0xd4: {  	s7 =	rddreg [dreg:$0x7];
	[sflag:s0] =	ssyncadd.s32 $0xFFFF8000;
	(pc) =	sbr.rel @p0 .LBB2_1-.Ltmp0, $4  }
0xd5: {  	[hbm4b:s7+s3] =	stream.linear.scatter [tilespmem:s14], [sflag:$0x3], $0x8000, $0x38;
	[tilespmem:$0x10100] =	vst v63  }
0xd6: {  	_ =	swait.ge [sflag:s5], $0x8000  }
0xd7: {  	[sflag:s5] =	ssyncset.done $0x0  }
0xd8: {  	s4 =	sadd.s32 $0xFFFFFFFF, s4;
	[sflag:s5] =	ssyncadd.s32 $0xFFFF8000  }
0xd9: {  	_ =	sfence.sel $0x180000  }
0xda: {  	[bflag:$0x0] =	sbarrier.arrive $0xFFFF  }
0xdb: {  	_ =	strace $0x90000047  }
0xdc: {  	s0 =	stileid.u32;
	[bflag:$0x2] =	sbarrier.arrive $0xFFFF  }
0xdd: {  	p0 =	sne.s32 s0, $0x0;
	s0 =	rddreg [dreg:$0x3]  }
0xde: {  	s0 =	sadd.s32 @!p0 $0x100000, s0  }
0xdf: {  	[sflag:s0] =	ssyncadd.tile.s32 @!p0 $0x1;
	_ =	shalt  }
.Lfunc_end2:
_tile_overlayer_lowered:
.L_overlay_start_2:
0xe0: {  	(tag) =	ssettag $0x2  }
0xe1: {  	s0 =	rddreg [dreg:$0x0];
	s2 =	stileid.u32  }
0xe2: {  	s1 =	rddreg [dreg:$0x1];
	p0 =	sne.s32 s2, $0x0  }
0xe3: {  	s3 =	rddreg [dreg:$0x2];
	[bflag:$0x3] =	sbarrier.arrive $0xFFFF;
	s2 =	simm.s32 @!p0 $0x1C03  }
0xe4: {  	[timem:s3], [sflag:s2] =	dma.local @!p0 [hbm:s0], s1  }
0xe5: {  	s0 =	simm.s32 @!p0 $0x3  }
0xe6: {  	_ =	swait.ge @!p0 [sflag:s0], s1  }
0xe7: {  	s1 =	ssub.s32 @!p0 $0x0, s1;
	[sflag:s0] =	ssyncset.done @!p0 $0x0  }
0xe8: {  	[sflag:s0] =	ssyncadd.s32 @!p0 s1  }
0xe9: {  	[bflag:$0x3] =	sbarrier.arrive $0xFFFF  }
0xea: {  	_ =	shalt  }

</sc_bundles>
